<compile_context>
chip_gen: v7x
topology: tpu7x:2x2x1
jax: 0.10.2.dev20260603
libtpu: 0.0.44.dev20260713+nightly
codegen_flags: <defaults>
</compile_context>

<pallas_src>
import functools

import jax
import jax.numpy as jnp
from jax import lax
from jax.experimental import pallas as pl
from jax.experimental.pallas import tpu as pltpu
from jax.experimental.pallas import tpu_sc as plsc

_BATCH = 1024
_TOKENS = 20
_HIDDEN = 2048
_N = _BATCH * _TOKENS

_NC = 2
_NS = 16
_NW = _NC * _NS
_ROWS_PER_W = _N // _NW
_CHUNK = 16
_NCHUNK = _ROWS_PER_W // _CHUNK


def _gather_rows(weight, idx_flat):
    mesh = plsc.VectorSubcoreMesh(
        core_axis_name="core", subcore_axis_name="subcore"
    )

    @functools.partial(
        pl.kernel,
        out_type=jax.ShapeDtypeStruct((_N, _HIDDEN), weight.dtype),
        mesh=mesh,
        compiler_params=pltpu.CompilerParams(use_tc_tiling_on_sc=True),
        scratch_types=[
            pltpu.VMEM((_ROWS_PER_W,), jnp.int32),
            pltpu.VMEM((_CHUNK, _HIDDEN), jnp.float32),
            pltpu.VMEM((_CHUNK, _HIDDEN), jnp.float32),
            pltpu.SemaphoreType.DMA,
            pltpu.SemaphoreType.DMA,
            pltpu.SemaphoreType.DMA,
            pltpu.SemaphoreType.DMA,
        ],
    )
    def gather_kernel(
        w_hbm, i_hbm, o_hbm, idx_v, buf0, buf1, gsem0, gsem1, wsem0, wsem1
    ):
        wid = lax.axis_index("subcore") * _NC + lax.axis_index("core")
        base = wid * _ROWS_PER_W
        pltpu.sync_copy(i_hbm.at[pl.ds(base, _ROWS_PER_W)], idx_v)

        def start_gather(c, buf, sem):
            pltpu.async_copy(
                w_hbm.at[idx_v.at[pl.ds(c * _CHUNK, _CHUNK)]], buf, sem
            )

        def start_write(c, buf, sem):
            pltpu.async_copy(buf, o_hbm.at[pl.ds(base + c * _CHUNK, _CHUNK)], sem)

        def wait_gather(buf, sem):
            pltpu.make_async_copy(w_hbm.at[pl.ds(0, _CHUNK)], buf, sem).wait()

        def wait_write(buf, sem):
            pltpu.make_async_copy(buf, o_hbm.at[pl.ds(base, _CHUNK)], sem).wait()

        start_gather(0, buf0, gsem0)
        start_gather(1, buf1, gsem1)

        @pl.loop(0, _NCHUNK, step=2)
        def _(c):
            wait_gather(buf0, gsem0)
            start_write(c, buf0, wsem0)
            wait_gather(buf1, gsem1)
            start_write(c + 1, buf1, wsem1)

            @pl.when(c + 2 < _NCHUNK)
            def _():
                wait_write(buf0, wsem0)
                start_gather(c + 2, buf0, gsem0)
                wait_write(buf1, wsem1)
                start_gather(c + 3, buf1, gsem1)

        wait_write(buf0, wsem0)
        wait_write(buf1, wsem1)

    return gather_kernel(weight, idx_flat)


def kernel(indices, weight):
    idx_flat = indices.T.reshape(_N)
    flat = _gather_rows(weight, idx_flat)
    return flat.reshape(_TOKENS, _BATCH, _HIDDEN).transpose(1, 0, 2)

# --- scband reference (transcript-rebuilt; emitter-appended) ---
"""Pipeline reference for scband-prompt-embedding-74002286510412 (READ-ONLY COPY).

The authoritative reference and input builder live on the scoring server;
editing this copy changes nothing except your own understanding.
"""

import jax, jax.numpy as jnp
import numpy as np

BATCH = 1024
NUM_VIRTUAL_TOKENS = 20
HIDDEN_SIZE = 2048


def setup_inputs(seed: int = 0) -> dict:
    key = jax.random.key(seed)
    k_idx, k_w = jax.random.split(key)
    indices = jax.random.randint(k_idx, (BATCH, NUM_VIRTUAL_TOKENS), 0, NUM_VIRTUAL_TOKENS, dtype=jnp.int32)
    # nn.Embedding default init: N(0, 1)
    weight = jax.random.normal(k_w, (NUM_VIRTUAL_TOKENS, HIDDEN_SIZE), dtype=jnp.float32)
    return {"indices": indices, "weight": weight}


def reference(indices, weight):
    # PromptEmbedding.forward: prompt_embeddings = self.embedding(indices)
    prompt_embeddings = jnp.take(weight, indices, axis=0)
    return prompt_embeddings

if __name__ == "__main__":
    import jax
    _d = setup_inputs()
    print(jax.jit(kernel)(*tuple(_d.values())))

</pallas_src>

<mosaic_0001>
#map = affine_map<(d0, d1) -> (0, 0)>
#map1 = affine_map<(d0, d1) -> (0)>
module attributes {stable_mosaic.version = 14 : i64} {
  func.func @gather_kernel(%arg0: i32, %arg1: i32, %arg2: memref<20x2048xf32, #tpu.memory_space<hbm>>, %arg3: memref<20480xi32, #tpu.memory_space<hbm>>, %arg4: memref<20480x2048xf32, #tpu.memory_space<hbm>>, %arg5: memref<640xi32, #tpu.memory_space<vmem>>, %arg6: memref<16x2048xf32, #tpu.memory_space<vmem>>, %arg7: memref<16x2048xf32, #tpu.memory_space<vmem>>, %arg8: memref<!tpu.dma_semaphore, #tpu.memory_space<semaphore_mem>>, %arg9: memref<!tpu.dma_semaphore, #tpu.memory_space<semaphore_mem>>, %arg10: memref<!tpu.dma_semaphore, #tpu.memory_space<semaphore_mem>>, %arg11: memref<!tpu.dma_semaphore, #tpu.memory_space<semaphore_mem>>) attributes {dimension_semantics = [#tpu.dimension_semantics<core_parallel>, #tpu.dimension_semantics<subcore_parallel>], iteration_bounds = array<i64: 2, 16>, scalar_prefetch = 0 : i64, scratch_operands = 7 : i64, tpu.core_type = #tpu.core_type<sc_vector_subcore>, window_params = [{transform_indices = #map}, {transform_indices = #map1}, {transform_indices = #map}]} {
    %mul3A = arith.constant 2 : i32
    %mul3A_0 = arith.muli %arg1, %mul3A : i32
    %add3A = arith.addi %mul3A_0, %arg0 : i32
    %mul3A_1 = arith.constant 640 : i32
    %mul3A_2 = arith.muli %add3A, %mul3A_1 : i32
    "tpu.region"() ({
      %run_scoped3A = tpu.sem_alloc : memref<!tpu.dma_semaphore, #tpu.memory_space<semaphore_mem>>
      %dma_start3A_23 = tpu.memref_slice %arg3[%mul3A_2] : memref<20480xi32, #tpu.memory_space<hbm>> -> memref<640xi32, #tpu.memory_space<hbm>>
      %dma_start3A_24 = tpu.memref_slice %arg3[%mul3A_2] : memref<20480xi32, #tpu.memory_space<hbm>> -> memref<640xi32, #tpu.memory_space<hbm>>
      tpu.enqueue_dma source(%dma_start3A_24 : memref<640xi32, #tpu.memory_space<hbm>>) target(%arg5 : memref<640xi32, #tpu.memory_space<vmem>>) target_semaphore(%run_scoped3A : memref<!tpu.dma_semaphore, #tpu.memory_space<semaphore_mem>>)
      %dma_wait3A_25 = tpu.memref_slice %arg3[%mul3A_2] : memref<20480xi32, #tpu.memory_space<hbm>> -> memref<640xi32, #tpu.memory_space<hbm>>
      %dma_wait3A_26 = tpu.memref_slice %arg3[%mul3A_2] : memref<20480xi32, #tpu.memory_space<hbm>> -> memref<640xi32, #tpu.memory_space<hbm>>
      tpu.wait_dma2 semaphore(%run_scoped3A : memref<!tpu.dma_semaphore, #tpu.memory_space<semaphore_mem>>) src(%dma_wait3A_26 : memref<640xi32, #tpu.memory_space<hbm>>) dst(%arg5 : memref<640xi32, #tpu.memory_space<vmem>>)
      tpu.yield
    }) : () -> ()
    %dma_start3A = arith.constant 0 : i32
    %dma_start3A_3 = tpu.memref_slice %arg5[%dma_start3A] : memref<640xi32, #tpu.memory_space<vmem>> -> memref<16xi32, #tpu.memory_space<vmem>>
    %dma_start3A_4 = arith.constant 0 : i32
    %dma_start3A_5 = arith.constant 0 : i32
    %dma_start3A_6 = tpu.memref_slice %arg2[%dma_start3A_4, %dma_start3A_5] : memref<20x2048xf32, #tpu.memory_space<hbm>> -> memref<20x2048xf32, #tpu.memory_space<hbm>>
    tpu.enqueue_indirect_dma source(%dma_start3A_6 : memref<20x2048xf32, #tpu.memory_space<hbm>>) target(%arg6 : memref<16x2048xf32, #tpu.memory_space<vmem>>) offsets(%dma_start3A_3 : memref<16xi32, #tpu.memory_space<vmem>>) semaphore(%arg8 : memref<!tpu.dma_semaphore, #tpu.memory_space<semaphore_mem>>)
    %dma_start3A_7 = arith.constant 16 : i32
    %dma_start3A_8 = tpu.memref_slice %arg5[%dma_start3A_7] : memref<640xi32, #tpu.memory_space<vmem>> -> memref<16xi32, #tpu.memory_space<vmem>>
    %dma_start3A_9 = arith.constant 0 : i32
    %dma_start3A_10 = arith.constant 0 : i32
    %dma_start3A_11 = tpu.memref_slice %arg2[%dma_start3A_9, %dma_start3A_10] : memref<20x2048xf32, #tpu.memory_space<hbm>> -> memref<20x2048xf32, #tpu.memory_space<hbm>>
    tpu.enqueue_indirect_dma source(%dma_start3A_11 : memref<20x2048xf32, #tpu.memory_space<hbm>>) target(%arg7 : memref<16x2048xf32, #tpu.memory_space<vmem>>) offsets(%dma_start3A_8 : memref<16xi32, #tpu.memory_space<vmem>>) semaphore(%arg9 : memref<!tpu.dma_semaphore, #tpu.memory_space<semaphore_mem>>)
    %scan3A = arith.constant 0 : i32
    %scan3A_12 = arith.constant 20 : i32
    %scan3A_13 = arith.addi %scan3A, %scan3A_12 : i32
    %scan3A_14 = arith.constant 1 : i32
    scf.for %scan3A_23 = %scan3A to %scan3A_13 step %scan3A_14  : i32 {
      %mul3A_24 = arith.constant 2 : i32
      %mul3A_25 = arith.muli %scan3A_23, %mul3A_24 : i32
      %add3A_26 = arith.constant 0 : i32
      %add3A_27 = arith.addi %add3A_26, %mul3A_25 : i32
      %dma_wait3A_28 = arith.constant 0 : i32
      %dma_wait3A_29 = arith.constant 0 : i32
      %dma_wait3A_30 = tpu.memref_slice %arg2[%dma_wait3A_28, %dma_wait3A_29] : memref<20x2048xf32, #tpu.memory_space<hbm>> -> memref<16x2048xf32, #tpu.memory_space<hbm>>
      %dma_wait3A_31 = arith.constant 0 : i32
      %dma_wait3A_32 = arith.constant 0 : i32
      %dma_wait3A_33 = tpu.memref_slice %arg2[%dma_wait3A_31, %dma_wait3A_32] : memref<20x2048xf32, #tpu.memory_space<hbm>> -> memref<16x2048xf32, #tpu.memory_space<hbm>>
      tpu.wait_dma2 semaphore(%arg8 : memref<!tpu.dma_semaphore, #tpu.memory_space<semaphore_mem>>) src(%dma_wait3A_33 : memref<16x2048xf32, #tpu.memory_space<hbm>>) dst(%arg6 : memref<16x2048xf32, #tpu.memory_space<vmem>>)
      %mul3A_34 = arith.constant 16 : i32
      %mul3A_35 = arith.muli %add3A_27, %mul3A_34 : i32
      %add3A_36 = arith.addi %mul3A_2, %mul3A_35 : i32
      %dma_start3A_37 = arith.constant 0 : i32
      %dma_start3A_38 = tpu.memref_slice %arg4[%add3A_36, %dma_start3A_37] : memref<20480x2048xf32, #tpu.memory_space<hbm>> -> memref<16x2048xf32, #tpu.memory_space<hbm>>
      %dma_start3A_39 = arith.constant 0 : i32
      %dma_start3A_40 = tpu.memref_slice %arg4[%add3A_36, %dma_start3A_39] : memref<20480x2048xf32, #tpu.memory_space<hbm>> -> memref<16x2048xf32, #tpu.memory_space<hbm>>
      tpu.enqueue_dma source(%arg6 : memref<16x2048xf32, #tpu.memory_space<vmem>>) target(%dma_start3A_40 : memref<16x2048xf32, #tpu.memory_space<hbm>>) target_semaphore(%arg10 : memref<!tpu.dma_semaphore, #tpu.memory_space<semaphore_mem>>)
      %dma_wait3A_41 = arith.constant 0 : i32
      %dma_wait3A_42 = arith.constant 0 : i32
      %dma_wait3A_43 = tpu.memref_slice %arg2[%dma_wait3A_41, %dma_wait3A_42] : memref<20x2048xf32, #tpu.memory_space<hbm>> -> memref<16x2048xf32, #tpu.memory_space<hbm>>
      %dma_wait3A_44 = arith.constant 0 : i32
      %dma_wait3A_45 = arith.constant 0 : i32
      %dma_wait3A_46 = tpu.memref_slice %arg2[%dma_wait3A_44, %dma_wait3A_45] : memref<20x2048xf32, #tpu.memory_space<hbm>> -> memref<16x2048xf32, #tpu.memory_space<hbm>>
      tpu.wait_dma2 semaphore(%arg9 : memref<!tpu.dma_semaphore, #tpu.memory_space<semaphore_mem>>) src(%dma_wait3A_46 : memref<16x2048xf32, #tpu.memory_space<hbm>>) dst(%arg7 : memref<16x2048xf32, #tpu.memory_space<vmem>>)
      %add3A_47 = arith.constant 1 : i32
      %add3A_48 = arith.addi %add3A_27, %add3A_47 : i32
      %mul3A_49 = arith.constant 16 : i32
      %mul3A_50 = arith.muli %add3A_48, %mul3A_49 : i32
      %add3A_51 = arith.addi %mul3A_2, %mul3A_50 : i32
      %dma_start3A_52 = arith.constant 0 : i32
      %dma_start3A_53 = tpu.memref_slice %arg4[%add3A_51, %dma_start3A_52] : memref<20480x2048xf32, #tpu.memory_space<hbm>> -> memref<16x2048xf32, #tpu.memory_space<hbm>>
      %dma_start3A_54 = arith.constant 0 : i32
      %dma_start3A_55 = tpu.memref_slice %arg4[%add3A_51, %dma_start3A_54] : memref<20480x2048xf32, #tpu.memory_space<hbm>> -> memref<16x2048xf32, #tpu.memory_space<hbm>>
      tpu.enqueue_dma source(%arg7 : memref<16x2048xf32, #tpu.memory_space<vmem>>) target(%dma_start3A_55 : memref<16x2048xf32, #tpu.memory_space<hbm>>) target_semaphore(%arg11 : memref<!tpu.dma_semaphore, #tpu.memory_space<semaphore_mem>>)
      %add3A_56 = arith.constant 2 : i32
      %add3A_57 = arith.addi %add3A_27, %add3A_56 : i32
      %lt3A = arith.constant 40 : i32
      %lt3A_58 = arith.cmpi slt, %add3A_57, %lt3A : i32
      %convert_element_type3A = arith.extui %lt3A_58 : i1 to i32
      %cond3A = arith.constant 0 : i32
      %cond3A_59 = arith.cmpi ne, %convert_element_type3A, %cond3A : i32
      scf.if %cond3A_59 {
        %dma_wait3A_60 = arith.constant 0 : i32
        %dma_wait3A_61 = tpu.memref_slice %arg4[%mul3A_2, %dma_wait3A_60] : memref<20480x2048xf32, #tpu.memory_space<hbm>> -> memref<16x2048xf32, #tpu.memory_space<hbm>>
        %dma_wait3A_62 = arith.constant 0 : i32
        %dma_wait3A_63 = tpu.memref_slice %arg4[%mul3A_2, %dma_wait3A_62] : memref<20480x2048xf32, #tpu.memory_space<hbm>> -> memref<16x2048xf32, #tpu.memory_space<hbm>>
        tpu.wait_dma2 semaphore(%arg10 : memref<!tpu.dma_semaphore, #tpu.memory_space<semaphore_mem>>) src(%arg6 : memref<16x2048xf32, #tpu.memory_space<vmem>>) dst(%dma_wait3A_63 : memref<16x2048xf32, #tpu.memory_space<hbm>>)
        %add3A_64 = arith.constant 2 : i32
        %add3A_65 = arith.addi %add3A_27, %add3A_64 : i32
        %mul3A_66 = arith.constant 16 : i32
        %mul3A_67 = arith.muli %add3A_65, %mul3A_66 : i32
        %dma_start3A_68 = tpu.memref_slice %arg5[%mul3A_67] : memref<640xi32, #tpu.memory_space<vmem>> -> memref<16xi32, #tpu.memory_space<vmem>>
        %dma_start3A_69 = arith.constant 0 : i32
        %dma_start3A_70 = arith.constant 0 : i32
        %dma_start3A_71 = tpu.memref_slice %arg2[%dma_start3A_69, %dma_start3A_70] : memref<20x2048xf32, #tpu.memory_space<hbm>> -> memref<20x2048xf32, #tpu.memory_space<hbm>>
        tpu.enqueue_indirect_dma source(%dma_start3A_71 : memref<20x2048xf32, #tpu.memory_space<hbm>>) target(%arg6 : memref<16x2048xf32, #tpu.memory_space<vmem>>) offsets(%dma_start3A_68 : memref<16xi32, #tpu.memory_space<vmem>>) semaphore(%arg8 : memref<!tpu.dma_semaphore, #tpu.memory_space<semaphore_mem>>)
        %dma_wait3A_72 = arith.constant 0 : i32
        %dma_wait3A_73 = tpu.memref_slice %arg4[%mul3A_2, %dma_wait3A_72] : memref<20480x2048xf32, #tpu.memory_space<hbm>> -> memref<16x2048xf32, #tpu.memory_space<hbm>>
        %dma_wait3A_74 = arith.constant 0 : i32
        %dma_wait3A_75 = tpu.memref_slice %arg4[%mul3A_2, %dma_wait3A_74] : memref<20480x2048xf32, #tpu.memory_space<hbm>> -> memref<16x2048xf32, #tpu.memory_space<hbm>>
        tpu.wait_dma2 semaphore(%arg11 : memref<!tpu.dma_semaphore, #tpu.memory_space<semaphore_mem>>) src(%arg7 : memref<16x2048xf32, #tpu.memory_space<vmem>>) dst(%dma_wait3A_75 : memref<16x2048xf32, #tpu.memory_space<hbm>>)
        %add3A_76 = arith.constant 3 : i32
        %add3A_77 = arith.addi %add3A_27, %add3A_76 : i32
        %mul3A_78 = arith.constant 16 : i32
        %mul3A_79 = arith.muli %add3A_77, %mul3A_78 : i32
        %dma_start3A_80 = tpu.memref_slice %arg5[%mul3A_79] : memref<640xi32, #tpu.memory_space<vmem>> -> memref<16xi32, #tpu.memory_space<vmem>>
        %dma_start3A_81 = arith.constant 0 : i32
        %dma_start3A_82 = arith.constant 0 : i32
        %dma_start3A_83 = tpu.memref_slice %arg2[%dma_start3A_81, %dma_start3A_82] : memref<20x2048xf32, #tpu.memory_space<hbm>> -> memref<20x2048xf32, #tpu.memory_space<hbm>>
        tpu.enqueue_indirect_dma source(%dma_start3A_83 : memref<20x2048xf32, #tpu.memory_space<hbm>>) target(%arg7 : memref<16x2048xf32, #tpu.memory_space<vmem>>) offsets(%dma_start3A_80 : memref<16xi32, #tpu.memory_space<vmem>>) semaphore(%arg9 : memref<!tpu.dma_semaphore, #tpu.memory_space<semaphore_mem>>)
      } else {
      }
    }
    %scan3A_15 = arith.constant 20 : i32
    %dma_wait3A = arith.constant 0 : i32
    %dma_wait3A_16 = tpu.memref_slice %arg4[%mul3A_2, %dma_wait3A] : memref<20480x2048xf32, #tpu.memory_space<hbm>> -> memref<16x2048xf32, #tpu.memory_space<hbm>>
    %dma_wait3A_17 = arith.constant 0 : i32
    %dma_wait3A_18 = tpu.memref_slice %arg4[%mul3A_2, %dma_wait3A_17] : memref<20480x2048xf32, #tpu.memory_space<hbm>> -> memref<16x2048xf32, #tpu.memory_space<hbm>>
    tpu.wait_dma2 semaphore(%arg10 : memref<!tpu.dma_semaphore, #tpu.memory_space<semaphore_mem>>) src(%arg6 : memref<16x2048xf32, #tpu.memory_space<vmem>>) dst(%dma_wait3A_18 : memref<16x2048xf32, #tpu.memory_space<hbm>>)
    %dma_wait3A_19 = arith.constant 0 : i32
    %dma_wait3A_20 = tpu.memref_slice %arg4[%mul3A_2, %dma_wait3A_19] : memref<20480x2048xf32, #tpu.memory_space<hbm>> -> memref<16x2048xf32, #tpu.memory_space<hbm>>
    %dma_wait3A_21 = arith.constant 0 : i32
    %dma_wait3A_22 = tpu.memref_slice %arg4[%mul3A_2, %dma_wait3A_21] : memref<20480x2048xf32, #tpu.memory_space<hbm>> -> memref<16x2048xf32, #tpu.memory_space<hbm>>
    tpu.wait_dma2 semaphore(%arg11 : memref<!tpu.dma_semaphore, #tpu.memory_space<semaphore_mem>>) src(%arg7 : memref<16x2048xf32, #tpu.memory_space<vmem>>) dst(%dma_wait3A_22 : memref<16x2048xf32, #tpu.memory_space<hbm>>)
    return
  }
}

</mosaic_0001>

<sc_bundles>
// kernel: kernel.3.cloned.1.call-start
scs
__scs_entry_jumppad:
0x0: {  	(pc) =	sbr.rel $0x88, $3  }
0x1: {  	(tag) =	ssettag $0x0;
	lr =	simm.s32 $0x1  }
0x2: {  	[smem:$0x3F9F] =	sst lr;
	_ =	strace $0xD0000000  }
0x3: {  	_ = 	snop  }
0x4: {  	_ = 	snop  }
0x5: {  	_ = 	snop  }
0x6: {  	_ = 	snop  }
0x7: {  	_ = 	snop  }
__scs_overlays_trampoline_lowered:
0x8: {  	[smem:$0x3FAE] =	sst s0  }
0x9: {  	[smem:$0x3FAF] =	sst s1  }
0xa: {  	[smem:$0x3FB0] =	sst s2  }
0xb: {  	[smem:$0x3FB1] =	sst s3  }
0xc: {  	[smem:$0x3FB2] =	sst s4  }
0xd: {  	[smem:$0x3FB3] =	sst s5  }
0xe: {  	[smem:$0x3FB4] =	sst s6  }
0xf: {  	[smem:$0x3FB5] =	sst s7  }
0x10: {  	[smem:$0x3FB6] =	sst s8  }
0x11: {  	[smem:$0x3FB7] =	sst s9;
	s0 =	simm.s32 @!p0 $0x0  }
0x12: {  	s1 =	sld [smem:$0x3F9D];
	s0 =	simm.s32 @p0 $0x1  }
0x13: {  	[smem:$0x3FB8] =	sst s0;
	s0 =	simm.s32 @!p1 $0x0  }
0x14: {  	s2 =	sld [smem:$0x3F9C];
	s0 =	simm.s32 @p1 $0x1  }
0x15: {  	[smem:$0x3FB9] =	sst s0;
	s0 =	simm.s32 @!p2 $0x0  }
0x16: {  	s3 =	sld [smem:$0x3FDB];
	s0 =	simm.s32 @p2 $0x1  }
0x17: {  	s4 =	simm.s32 $0x1BF5;
	[smem:$0x3FBB] =	sst s0  }
0x18: {  	s0 =	sld [smem:$0x3F9E];
	_ =	swait.ge [sflag:s4], $0x0  }
0x19: {  	s7 =	sld [smem:$0x3F9F]  }
0x1a: {  	s8 =	sadd.s32 $0xFFFFE003, lr  }
0x1b: {  	s9 =	sadd.s32 $0xFFFFFEF7, lr;
	s5 =	simm.s32 $0xFFFFFFFF;
	p2 =	slt.u32 s8, $0xFFFFF086  }
0x1c: {  	p1 =	slt.u32 s9, $0xF7A;
	s5 =	simm.s32 @!p2 $0x0  }
0x1d: {  	s5 =	simm.s32 @p1 $0x1;
	p0 =	seq.s32 s7, s2  }
0x1e: {  	s7 =	smul.u32 @!p0 $0xF7A, s2;
	p2 =	seq.s32 @!p0 s5, $0x0  }
0x1f: {  	s9 =	smul.u32 $0xF7A, s1;
	s8 =	simm.s32 @!p0 $0x1BF5;
	p2 =	por !p2, p0  }
0x20: {  	[sflag:s8] =	ssyncset.s32 @!p0 $0xFFFFF086;
	s6 =	sadd.s32 @!p0 s3, s7;
	s7 =	simm.s32 @!p0 $0x108  }
0x21: {  	s3 =	sadd.s32 s3, s9;
	s6 =	sadd.s32 @!p0 $0x88, s6;
	s7 =	simm.s32 @p2 $0x1082  }
0x22: {  	[simem:s7], [sflag:s8] =	dma.local @!p0 [hbm:s6], $0xF7A  }
0x23: {  	s9 =	sor.u32 $0xD0000000, s2;
	s6 =	simm.s32 $0x108;
	_ =	swait.ge @!p0 [sflag:s8], $0x0  }
0x24: {  	s3 =	sadd.s32 $0x88, s3;
	s6 =	simm.s32 @!p1 $0x1082;
	[sflag:s4] =	ssyncset.s32 $0xFFFFF086  }
0x25: {  	[simem:s6], [sflag:s4] =	dma.local [hbm:s3], $0xF7A  }
0x26: {  	[smem:$0x3F9F] =	sst s1;
	(tag) =	ssettag s2;
	_ =	strace s9  }
0x27: {  	s1 =	sld [smem:$0x3FAF]  }
0x28: {  	s2 =	sld [smem:$0x3FB0]  }
0x29: {  	s4 =	sld [smem:$0x3FB2]  }
0x2a: {  	p0 =	seq.s32 s5, $0x0;
	s5 =	sld [smem:$0x3FB3]  }
0x2b: {  	s6 =	sld [smem:$0x3FB4]  }
0x2c: {  	s7 =	sld [smem:$0x3FB5]  }
0x2d: {  	s3 =	simm.s32 $0x108;
	s8 =	sld [smem:$0x3FB6]  }
0x2e: {  	s3 =	simm.s32 @!p0 $0x1082;
	s9 =	sld [smem:$0x3FB7]  }
0x2f: {  	lr =	sadd.s32 s0, s3;
	s0 =	sld [smem:$0x3FAE]  }
0x30: {  	s3 =	sld [smem:$0x3FB1]  }
0x31: {  	[smem:$0x3FBA] =	sst s10  }
0x32: {  	s10 =	sld [smem:$0x3FB8];
	_ =	sdelay $0x3  }
0x33: {  	p0 =	seq.s32 s10, $0x1;
	s10 =	sld [smem:$0x3FBA];
	_ =	sdelay $0x3  }
0x34: {  	[smem:$0x3FBA] =	sst s10  }
0x35: {  	s10 =	sld [smem:$0x3FB9];
	_ =	sdelay $0x3  }
0x36: {  	p1 =	seq.s32 s10, $0x1;
	s10 =	sld [smem:$0x3FBA];
	_ =	sdelay $0x3  }
0x37: {  	[smem:$0x3FBA] =	sst s10  }
0x38: {  	s10 =	sld [smem:$0x3FBB]  }
0x39: {  	_ = 	snop;
	(pc) =	sbr.ind lr, $3  }
0x3a: {  	_ = 	snop  }
0x3b: {  	_ = 	snop  }
0x3c: {  	p2 =	seq.s32 s10, $0x1;
	s10 =	sld [smem:$0x3FBA]  }
0x3d: {  	_ =	shalt  }
0x3e: {  	_ =	shalt  }
0x3f: {  	_ =	shalt  }
0x40: {  	_ =	shalt  }
0x41: {  	_ =	shalt  }
0x42: {  	_ =	shalt  }
0x43: {  	_ =	shalt  }
0x44: {  	_ =	shalt  }
0x45: {  	_ =	shalt  }
0x46: {  	_ =	shalt  }
0x47: {  	_ =	shalt  }
0x48: {  	_ =	shalt  }
0x49: {  	_ =	shalt  }
0x4a: {  	_ =	shalt  }
0x4b: {  	_ =	shalt  }
0x4c: {  	_ =	shalt  }
0x4d: {  	_ =	shalt  }
0x4e: {  	_ =	shalt  }
0x4f: {  	_ =	shalt  }
0x50: {  	_ =	shalt  }
0x51: {  	_ =	shalt  }
0x52: {  	_ =	shalt  }
0x53: {  	_ =	shalt  }
0x54: {  	_ =	shalt  }
0x55: {  	_ =	shalt  }
0x56: {  	_ =	shalt  }
0x57: {  	_ =	shalt  }
0x58: {  	_ =	shalt  }
0x59: {  	_ =	shalt  }
0x5a: {  	_ =	shalt  }
0x5b: {  	_ =	shalt  }
0x5c: {  	_ =	shalt  }
0x5d: {  	_ =	shalt  }
0x5e: {  	_ =	shalt  }
0x5f: {  	_ =	shalt  }
0x60: {  	_ =	shalt  }
0x61: {  	_ =	shalt  }
0x62: {  	_ =	shalt  }
0x63: {  	_ =	shalt  }
0x64: {  	_ =	shalt  }
0x65: {  	_ =	shalt  }
0x66: {  	_ =	shalt  }
0x67: {  	_ =	shalt  }
0x68: {  	_ =	shalt  }
0x69: {  	_ =	shalt  }
0x6a: {  	_ =	shalt  }
0x6b: {  	_ =	shalt  }
0x6c: {  	_ =	shalt  }
0x6d: {  	_ =	shalt  }
0x6e: {  	_ =	shalt  }
0x6f: {  	_ =	shalt  }
0x70: {  	_ =	shalt  }
0x71: {  	_ =	shalt  }
0x72: {  	_ =	shalt  }
0x73: {  	_ =	shalt  }
0x74: {  	_ =	shalt  }
0x75: {  	_ =	shalt  }
0x76: {  	_ =	shalt  }
0x77: {  	_ =	shalt  }
0x78: {  	_ =	shalt  }
0x79: {  	_ =	shalt  }
0x7a: {  	_ =	shalt  }
0x7b: {  	_ =	shalt  }
0x7c: {  	_ =	shalt  }
0x7d: {  	_ =	shalt  }
0x7e: {  	_ =	shalt  }
0x7f: {  	_ =	shalt  }
0x80: {  	_ =	shalt  }
0x81: {  	_ =	shalt  }
0x82: {  	_ =	shalt  }
0x83: {  	_ =	shalt  }
0x84: {  	_ =	shalt  }
0x85: {  	_ =	shalt  }
0x86: {  	_ =	shalt  }
0x87: {  	_ =	shalt  }
.Lfunc_end0:
.L_simem_size_0:
called_computation_lowered:
.L_overlay_start_0:
0x88: {  	s2 =	sld [smem:$0x3FD9]  }
0x89: {  	s3 =	sld [smem:$0x3FFE];
	_ =	sdelay $0x1  }
0x8a: {  	s1 =	srdreg.scid  }
0x8b: {  	s0 =	sand.u32 $0x1, s1  }
0x8c: {  	s17 =	sshll.u32 s0, $0xA;
	s2 =	sadd.s32 s3, s2  }
0x8d: {  	s2 =	sadd.s32 s2, s17  }
0x8e: {  	[smem:$0x3FC6] =	sst s2  }
0x8f: {  	_ = 	snop  }
0x90: {  	s2 =	sld [smem:$0x3FC8]  }
0x91: {  	s18 =	sld [smem:$0x3FD0];
	(tm) =	ssettm $0x1  }
0x92: {  	s4 =	sld [smem:$0x3FFB];
	_ =	sdelay $0x3  }
0x93: {  	_ =	strace s4  }
0x94: {  	s4 =	sld [smem:$0x3FFC];
	_ =	sdelay $0x3  }
0x95: {  	_ =	strace s4  }
0x96: {  	s4 =	sld [smem:$0x3FFD];
	_ =	sdelay $0x3  }
0x97: {  	_ =	strace s4  }
0x98: {  	_ =	strace $0x8FFFFFFF  }
0x99: {  	s19 =	sld [smem:$0x3FDB];
	_ =	sdelay $0x1  }
0x9a: {  	s5 =	simm.s32 $_scs_section_size  }
0x9b: {  	s6 =	simm.s32 $_size__tile_overlayer_lowered;
	s7 =	simm.s32 $_tile_overlayer_lowered  }
0x9c: {  	s22 =	simm.s32 $0x1BFF;
	s21 =	sshll.u32 s7, $0x1;
	s4 =	sadd.s32 s5, s19  }
0x9d: {  	s8 =	simm.s32 $0x0;
	s20 =	sshll.u32 s6, $0x1;
	s6 =	sadd.s32 s21, s4  }
0x9e: {  	[timem:s8], [sflag:s22] =	dma.local [hbm:s6], s20  }
0x9f: {  	_ =	swait.ge [sflag:s22], s20  }
0xa0: {  	s5 =	ssub.s32 $0x0, s20;
	[sflag:s22] =	ssyncset.done $0x0  }
0xa1: {  	[sflag:s22] =	ssyncadd.s32 s5;
	_ =	sdelay $0x1  }
0xa2: {  	s23 =	simm.s32 $0x1B8B  }
0xa3: {  	_ =	swait.ge [sflag:s23], $0x1  }
0xa4: {  	[sflag:s23] =	ssyncset.done $0x0  }
0xa5: {  	s25 =	simm.s32 $0x1B8E;
	s24 =	sld [smem:$0x3FFE];
	[sflag:s23] =	ssyncadd.s32 $0xFFFFFFFF  }
0xa6: {  	s26 =	simm.s32 $execute0_lowered;
	[smem:$0x3FD2] =	sst s25  }
0xa7: {  	s6 =	sshll.u32 s26, $0x1;
	_ =	strace $0x80000046;
	[dreg:$0x1] =	wrdreg $0xFFFFFFFF  }
0xa8: {  	s28 =	simm.s32 $_size_execute0_lowered;
	s4 =	sadd.s32 s4, s6;
	[dreg:$0x0] =	wrdreg $0x0  }
0xa9: {  	s6 =	sshll.u32 s28, $0x1;
	[dreg:$0x2] =	wrdreg s4  }
0xaa: {  	[dreg:$0x3] =	wrdreg s6  }
0xab: {  	[dreg:$0x4] =	wrdreg $0xC0  }
0xac: {  	_ =	task [dreg:s8], $0x5FFFF  }
0xad: {  	[dreg:$0x1] =	wrdreg $0xFFFFFFFF  }
0xae: {  	[dreg:$0x0] =	wrdreg $0x60  }
0xaf: {  	[dreg:$0x2] =	wrdreg s2  }
0xb0: {  	[dreg:$0x3] =	wrdreg s24  }
0xb1: {  	[dreg:$0x4] =	wrdreg s18  }
0xb2: {  	[dreg:$0x5] =	wrdreg $0x9  }
0xb3: {  	_ =	task.clear_ibuf [dreg:s8], $0x6FFFF;
	_ =	strace $0x90000046  }
0xb4: {  	s29 =	simm.s32 $0x9;
	_ =	strace $0x80000048  }
0xb5: {  	_ =	swait.ge [sflag:s29], $0x1  }
0xb6: {  	[sflag:s29] =	ssyncadd.s32 $0xFFFFFFFF  }
0xb7: {  	_ =	strace $0x90000048  }
0xb8: {  	_ =	sfence  }
0xb9: {  	s30 =	sld [smem:$0x0];
	_ =	sdelay $0x2  }
0xba: {  	s31 =	sshll.u32 s1, $0xD;
	s1 =	sshrl.u32 s1, $0x2  }
0xbb: {  	s3 =	sand.u32 $0x4000, s31;
	s1 =	sadd.s32 s1, s30  }
0xbc: {  	s0 =	sor.u32 s3, s0;
	s1 =	sshll.u32 s1, $0x11  }
0xbd: {  	s0 =	sor.u32 s1, s0  }
0xbe: {  	s0 =	sadd.s32 $0x8F2B, s0  }
0xbf: {  	[sflag:s0] =	ssyncadd.remote.s32 $0x1  }
0xc0: {  	_ =	sfence.sel $0xFFFF  }
0xc1: {  	[dreg:$0x0] =	wrdreg $0xFFFFFFFF;
	(pc) =	sbr.abs _section_cstart, $3  }
0xc2: {  	[dreg:$0x1] =	wrdreg $0xFFFFFFFF  }
0xc3: {  	_ =	task.clear_ibuf [dreg:s8], $0x2FFFF;
	_ =	strace $0x9FFFFFFF  }
0xc4: {  	(tm) =	ssettm $0x7FFFFFFF  }
0xc5: {  	_ =	shalt  }
tec
execute0_lowered:
.L_overlay_start_1:
0x0: {  	(tag) =	ssettag $0x1  }
0x1: {  	s1 =	rddreg [dreg:$0x0]  }
0x2: {  	s0 =	rddreg [dreg:$0x1];
	s2 =	srdreg.scid  }
0x3: {  	s7 =	stileid.u32;
	s4 =	rddreg [dreg:$0x2]  }
0x4: {  	s3 =	simm.s32 $0x0;
	s16 =	simm.s32 $0x280;
	s18 =	simm.s32 $0xAA80  }
0x5: {  	s19 =	simm.s32 $0xB280;
	s20 =	simm.s32 $0xBA80;
	s21 =	simm.s32 $0xC280  }
0x6: {  	s22 =	simm.s32 $0xCA80;
	s23 =	simm.s32 $0xD280;
	s28 =	simm.s32 $0xF280  }
0x7: {  	s29 =	simm.s32 $0xFA80;
	s30 =	simm.s32 $0x1;
	s31 =	simm.s32 $0x2  }
0x8: {  	s15 =	simm.s32 $0x0;
	s2 =	sand.u32 $0x1, s2;
	s11 =	smul.u32 $0x50000, s7  }
0x9: {  	s5 =	sshll.u32 s7, $0x1;
	[smem:$0x7FF] =	sst s3;
	s13 =	smul.u32 $0x280000, s7  }
0xa: {  	s7 =	sadd.s32 $0x300, s1;
	s8 =	sadd.s32 $0x400, s1;
	s9 =	sadd.s32 $0x500, s1  }
0xb: {  	s10 =	sadd.s32 $0x600, s1;
	s5 =	sor.u32 s2, s5;
	s25 =	smul.u32 $0x28000, s2  }
0xc: {  	_ =	strace $0x80000047;
	s6 =	ssub.s32 $0x2, s2;
	s2 =	smul.u32 $0x140000, s2  }
0xd: {  	s5 =	smul.u32 $0x50, s5;
	s24 =	sshrl.u32 s6, $0x1;
	s14 =	sadd.s32 s11, s4  }
0xe: {  	s11 =	sadd.s32 $0x700, s1;
	s12 =	ssub.s32 s6, s24;
	s6 =	sadd.s32 $0x200, s1  }
0xf: {  	s2 =	sadd.s32 s2, s13;
	s24 =	simm.s32 $0xDA80;
	s0 =	sadd.s32 s5, s0  }
.Ltmp0:
0x10: {  	s5 =	sadd.s32 $0x100, s1;
	s12 =	smax.u32 s12, $0x1;
	(pc) =	sbr.rel .LBB2_1-.Ltmp0, $4  }
0x11: {  	s26 =	sshrl.u32 s2, $0x3;
	s0 =	sadd.s32 $0x400, s0;
	[dreg:$0x5] =	wrdreg s12  }
0x12: {  	v2 =	vlaneseq.u32;
	s2 =	simm.s32 $0x3;
	[dreg:$0x4] =	wrdreg s0;
	s0 =	sadd.s32 s25, s14  }
0x13: {  	vm0 =	vmmov $0xffff;
	v1 =	vshrl.u32 v2, $0x3;
	s14 =	sadd.s32 s26, s4;
	s25 =	simm.s32 $0xE280;
	s26 =	simm.s32 $0xEA80  }
0x14: {  	v0 =	vand.u32 $0x7, v2;
	v2 =	vor.u32 $0x8, v2;
	v1 =	vmul.u32 $0x8, v1;
	s4 =	simm.s32 $0x4;
	s13 =	sadd.s32 $0x1000, s0;
	s0 =	simm.s32 $0x8280  }
.LBB2_4:
0x15: {  	_ =	swait.ge [sflag:s2], $0x8000  }
0x16: {  	[sflag:s2] =	ssyncset.done $0x0  }
0x17: {  	[sflag:s2] =	ssyncadd.s32 $0xFFFF8000  }
0x18: {  	_ =	swait.ge [sflag:s4], $0x8000  }
0x19: {  	s15 =	rddreg [dreg:$0x6]  }
0x1a: {  	s12 =	rddreg [dreg:$0x5];
	s15 =	sadd.s32 $0x1, s15  }
0x1b: {  	p0 =	sne.s32 s15, s12  }
.Ltmp1:
0x1c: {  	_ = 	snop;
	(pc) =	sbr.rel @!p0 .LBB2_5-.Ltmp1, $3  }
0x1d: {  	_ =	sdelay $0x1  }
0x1e: {  	[sflag:s4] =	ssyncset.done $0x0  }
0x1f: {  	[sflag:s4] =	ssyncadd.s32 $0xFFFF8000  }
.LBB2_1:
0x20: {  	[dreg:$0x6] =	wrdreg s15  }
0x21: {  	s12 =	rddreg [dreg:$0x4];
	s15 =	simm.s32 $0x5  }
0x22: {  	[tilespmem:s3], [sflag:$0x5] =	stream.linear.gather [hbm4b:s12+s3], $0x280, $0x38;
	[tilespmem:$0x10280] =	vst v63  }
0x23: {  	_ =	swait.ge [sflag:s15], $0x280  }
0x24: {  	[sflag:s15] =	ssyncset.done $0x0  }
0x25: {  	[sflag:s15] =	ssyncadd.s32 $0xFFFFFD80  }
0x26: {  	v3 =	vld [tilespmem:$0x0];
	_ =	sdelay $0x4  }
0x27: {  	v4 =	vshll.u32 v3, $0x4  }
0x28: {  	v3 =	vand.u32 $0x7, v3;
	v4 =	vand.u32 $0xFFFFFF80, v4  }
0x29: {  	v3 =	vor.u32 v3, v4  }
0x2a: {  	v4 =	vperm.xlane v3, v0;
	_ =	sdelay $0x1  }
0x2b: {  	v4 =	vadd.s32 v1, v4;
	_ =	sdelay $0x4  }
0x2c: {  	[tilespmem:s16], [sflag:$0x1] =	stream.indirect_vreg.gather [hbm4b:s1+s3], $0x80, v4, vm0, $0xb8;
	[tilespmem:$0x10280] =	vst v63  }
0x2d: {  	s17 =	simm.s32 $0xA80  }
0x2e: {  	[tilespmem:s17], [sflag:$0x1] =	stream.indirect_vreg.gather [hbm4b:s5+s3], $0x80, v4, vm0, $0xb8;
	[tilespmem:$0x10280] =	vst v63  }
0x2f: {  	s15 =	simm.s32 $0x1280  }
0x30: {  	[tilespmem:s15], [sflag:$0x1] =	stream.indirect_vreg.gather [hbm4b:s6+s3], $0x80, v4, vm0, $0xb8;
	[tilespmem:$0x10280] =	vst v63  }
0x31: {  	s17 =	simm.s32 $0x1A80  }
0x32: {  	[tilespmem:s17], [sflag:$0x1] =	stream.indirect_vreg.gather [hbm4b:s7+s3], $0x80, v4, vm0, $0xb8;
	[tilespmem:$0x10280] =	vst v63  }
0x33: {  	s15 =	simm.s32 $0x2280  }
0x34: {  	[tilespmem:s15], [sflag:$0x1] =	stream.indirect_vreg.gather [hbm4b:s8+s3], $0x80, v4, vm0, $0xb8;
	[tilespmem:$0x10280] =	vst v63  }
0x35: {  	v3 =	vperm.xlane v3, v2;
	s17 =	simm.s32 $0x2A80  }
0x36: {  	[tilespmem:s17], [sflag:$0x1] =	stream.indirect_vreg.gather [hbm4b:s9+s3], $0x80, v4, vm0, $0xb8;
	[tilespmem:$0x10280] =	vst v63  }
0x37: {  	v3 =	vadd.s32 v1, v3;
	s15 =	simm.s32 $0x3280  }
0x38: {  	[tilespmem:s15], [sflag:$0x1] =	stream.indirect_vreg.gather [hbm4b:s10+s3], $0x80, v4, vm0, $0xb8;
	[tilespmem:$0x10280] =	vst v63  }
0x39: {  	s17 =	simm.s32 $0x3A80  }
0x3a: {  	[tilespmem:s17], [sflag:$0x1] =	stream.indirect_vreg.gather [hbm4b:s11+s3], $0x80, v4, vm0, $0xb8;
	[tilespmem:$0x10280] =	vst v63  }
0x3b: {  	s15 =	simm.s32 $0x4280  }
0x3c: {  	[tilespmem:s15], [sflag:$0x1] =	stream.indirect_vreg.gather [hbm4b:s1+s3], $0x80, v3, vm0, $0xb8;
	[tilespmem:$0x10280] =	vst v63  }
0x3d: {  	s17 =	simm.s32 $0x4A80  }
0x3e: {  	[tilespmem:s17], [sflag:$0x1] =	stream.indirect_vreg.gather [hbm4b:s5+s3], $0x80, v3, vm0, $0xb8;
	[tilespmem:$0x10280] =	vst v63  }
0x3f: {  	s15 =	simm.s32 $0x5280  }
0x40: {  	[tilespmem:s15], [sflag:$0x1] =	stream.indirect_vreg.gather [hbm4b:s6+s3], $0x80, v3, vm0, $0xb8;
	[tilespmem:$0x10280] =	vst v63  }
0x41: {  	s17 =	simm.s32 $0x5A80  }
0x42: {  	[tilespmem:s17], [sflag:$0x1] =	stream.indirect_vreg.gather [hbm4b:s7+s3], $0x80, v3, vm0, $0xb8;
	[tilespmem:$0x10280] =	vst v63  }
0x43: {  	s15 =	simm.s32 $0x6280  }
0x44: {  	[tilespmem:s15], [sflag:$0x1] =	stream.indirect_vreg.gather [hbm4b:s8+s3], $0x80, v3, vm0, $0xb8;
	[tilespmem:$0x10280] =	vst v63  }
0x45: {  	s17 =	simm.s32 $0x6A80  }
0x46: {  	[tilespmem:s17], [sflag:$0x1] =	stream.indirect_vreg.gather [hbm4b:s9+s3], $0x80, v3, vm0, $0xb8;
	[tilespmem:$0x10280] =	vst v63  }
0x47: {  	s15 =	simm.s32 $0x7280  }
0x48: {  	[tilespmem:s15], [sflag:$0x1] =	stream.indirect_vreg.gather [hbm4b:s10+s3], $0x80, v3, vm0, $0xb8;
	[tilespmem:$0x10280] =	vst v63  }
0x49: {  	s17 =	simm.s32 $0x7A80  }
0x4a: {  	[tilespmem:s17], [sflag:$0x1] =	stream.indirect_vreg.gather [hbm4b:s11+s3], $0x80, v3, vm0, $0xb8;
	[tilespmem:$0x10280] =	vst v63  }
0x4b: {  	v3 =	vld [tilespmem:$0x10];
	_ =	sdelay $0x4  }
0x4c: {  	v63 =	vshll.u32 v3, $0x4  }
0x4d: {  	v3 =	vand.u32 $0x7, v3;
	v4 =	vand.u32 $0xFFFFFF80, v63  }
0x4e: {  	v3 =	vor.u32 v3, v4  }
0x4f: {  	v4 =	vperm.xlane v3, v0;
	_ =	sdelay $0x1  }
0x50: {  	v4 =	vadd.s32 v1, v4;
	_ =	sdelay $0x4  }
0x51: {  	[tilespmem:s0], [sflag:$0x2] =	stream.indirect_vreg.gather [hbm4b:s1+s3], $0x80, v4, vm0, $0xb8;
	[tilespmem:$0x10280] =	vst v63  }
0x52: {  	s15 =	simm.s32 $0x8A80  }
0x53: {  	[tilespmem:s15], [sflag:$0x2] =	stream.indirect_vreg.gather [hbm4b:s5+s3], $0x80, v4, vm0, $0xb8;
	[tilespmem:$0x10280] =	vst v63  }
0x54: {  	s17 =	simm.s32 $0x9280  }
0x55: {  	[tilespmem:s17], [sflag:$0x2] =	stream.indirect_vreg.gather [hbm4b:s6+s3], $0x80, v4, vm0, $0xb8;
	[tilespmem:$0x10280] =	vst v63  }
0x56: {  	s15 =	simm.s32 $0x9A80  }
0x57: {  	[tilespmem:s15], [sflag:$0x2] =	stream.indirect_vreg.gather [hbm4b:s7+s3], $0x80, v4, vm0, $0xb8;
	[tilespmem:$0x10280] =	vst v63  }
0x58: {  	s17 =	simm.s32 $0xA280  }
0x59: {  	[tilespmem:s17], [sflag:$0x2] =	stream.indirect_vreg.gather [hbm4b:s8+s3], $0x80, v4, vm0, $0xb8;
	[tilespmem:$0x10280] =	vst v63  }
0x5a: {  	v3 =	vperm.xlane v3, v2  }
0x5b: {  	[tilespmem:s18], [sflag:$0x2] =	stream.indirect_vreg.gather [hbm4b:s9+s3], $0x80, v4, vm0, $0xb8;
	[tilespmem:$0x10280] =	vst v63  }
0x5c: {  	v3 =	vadd.s32 v1, v3  }
0x5d: {  	[tilespmem:s19], [sflag:$0x2] =	stream.indirect_vreg.gather [hbm4b:s10+s3], $0x80, v4, vm0, $0xb8;
	[tilespmem:$0x10280] =	vst v63  }
0x5e: {  	_ = 	snop  }
0x5f: {  	[tilespmem:s20], [sflag:$0x2] =	stream.indirect_vreg.gather [hbm4b:s11+s3], $0x80, v4, vm0, $0xb8;
	[tilespmem:$0x10280] =	vst v63  }
0x60: {  	_ = 	snop  }
0x61: {  	[tilespmem:s21], [sflag:$0x2] =	stream.indirect_vreg.gather [hbm4b:s1+s3], $0x80, v3, vm0, $0xb8;
	[tilespmem:$0x10280] =	vst v63  }
0x62: {  	_ = 	snop  }
0x63: {  	[tilespmem:s22], [sflag:$0x2] =	stream.indirect_vreg.gather [hbm4b:s5+s3], $0x80, v3, vm0, $0xb8;
	[tilespmem:$0x10280] =	vst v63  }
0x64: {  	_ = 	snop  }
0x65: {  	[tilespmem:s23], [sflag:$0x2] =	stream.indirect_vreg.gather [hbm4b:s6+s3], $0x80, v3, vm0, $0xb8;
	[tilespmem:$0x10280] =	vst v63  }
0x66: {  	_ = 	snop  }
0x67: {  	[tilespmem:s24], [sflag:$0x2] =	stream.indirect_vreg.gather [hbm4b:s7+s3], $0x80, v3, vm0, $0xb8;
	[tilespmem:$0x10280] =	vst v63  }
0x68: {  	_ = 	snop  }
0x69: {  	[tilespmem:s25], [sflag:$0x2] =	stream.indirect_vreg.gather [hbm4b:s8+s3], $0x80, v3, vm0, $0xb8;
	[tilespmem:$0x10280] =	vst v63  }
0x6a: {  	_ = 	snop  }
0x6b: {  	[tilespmem:s26], [sflag:$0x2] =	stream.indirect_vreg.gather [hbm4b:s9+s3], $0x80, v3, vm0, $0xb8;
	[tilespmem:$0x10280] =	vst v63  }
0x6c: {  	_ = 	snop  }
0x6d: {  	[tilespmem:s28], [sflag:$0x2] =	stream.indirect_vreg.gather [hbm4b:s10+s3], $0x80, v3, vm0, $0xb8;
	[tilespmem:$0x10280] =	vst v63  }
0x6e: {  	s12 =	simm.s32 $0x30;
	s15 =	simm.s32 $0x0  }
0x6f: {  	[tilespmem:s29], [sflag:$0x2] =	stream.indirect_vreg.gather [hbm4b:s11+s3], $0x80, v3, vm0, $0xb8;
	[tilespmem:$0x10280] =	vst v63  }
.LBB2_2:
0x70: {  	_ =	swait.ge [sflag:s30], $0x8000  }
0x71: {  	[sflag:s30] =	ssyncset.done $0x0  }
0x72: {  	s17 =	sadd.s32 s15, s14;
	p0 =	seq.s32 s15, $0x26000;
	[sflag:s30] =	ssyncadd.s32 $0xFFFF8000  }
0x73: {  	[hbm4b:s17+s3] =	stream.linear.scatter [tilespmem:s16], [sflag:$0x3], $0x8000, $0x38;
	[tilespmem:$0x10280] =	vst v63  }
.Ltmp2:
0x74: {  	_ = 	snop;
	(pc) =	sbr.rel @p0 .LBB2_4-.Ltmp2, $4  }
0x75: {  	_ =	swait.ge [sflag:s31], $0x8000  }
0x76: {  	[sflag:s31] =	ssyncset.done $0x0  }
0x77: {  	s17 =	sadd.s32 s15, s13;
	[sflag:s31] =	ssyncadd.s32 $0xFFFF8000  }
0x78: {  	[hbm4b:s17+s3] =	stream.linear.scatter [tilespmem:s0], [sflag:$0x4], $0x8000, $0x38;
	[tilespmem:$0x10280] =	vst v63  }
0x79: {  	_ =	swait.ge [sflag:s2], $0x8000  }
0x7a: {  	[sflag:s2] =	ssyncset.done $0x0  }
0x7b: {  	[sflag:s2] =	ssyncadd.s32 $0xFFFF8000  }
0x7c: {  	v3 =	vld [tilespmem:s12+$0xFFFFFFF0];
	_ =	sdelay $0x4  }
0x7d: {  	v4 =	vshll.u32 v3, $0x4  }
0x7e: {  	v3 =	vand.u32 $0x7, v3;
	v4 =	vand.u32 $0xFFFFFF80, v4  }
0x7f: {  	v3 =	vor.u32 v3, v4  }
0x80: {  	v4 =	vperm.xlane v3, v0;
	_ =	sdelay $0x1  }
0x81: {  	v4 =	vadd.s32 v1, v4;
	_ =	sdelay $0x4  }
0x82: {  	[tilespmem:s16], [sflag:$0x1] =	stream.indirect_vreg.gather [hbm4b:s1+s3], $0x80, v4, vm0, $0xb8;
	[tilespmem:$0x10280] =	vst v63  }
0x83: {  	s17 =	simm.s32 $0xA80  }
0x84: {  	[tilespmem:s17], [sflag:$0x1] =	stream.indirect_vreg.gather [hbm4b:s5+s3], $0x80, v4, vm0, $0xb8;
	[tilespmem:$0x10280] =	vst v63  }
0x85: {  	s17 =	simm.s32 $0x1280  }
0x86: {  	[tilespmem:s17], [sflag:$0x1] =	stream.indirect_vreg.gather [hbm4b:s6+s3], $0x80, v4, vm0, $0xb8;
	[tilespmem:$0x10280] =	vst v63  }
0x87: {  	s17 =	simm.s32 $0x1A80  }
0x88: {  	[tilespmem:s17], [sflag:$0x1] =	stream.indirect_vreg.gather [hbm4b:s7+s3], $0x80, v4, vm0, $0xb8;
	[tilespmem:$0x10280] =	vst v63  }
0x89: {  	s17 =	simm.s32 $0x2280  }
0x8a: {  	[tilespmem:s17], [sflag:$0x1] =	stream.indirect_vreg.gather [hbm4b:s8+s3], $0x80, v4, vm0, $0xb8;
	[tilespmem:$0x10280] =	vst v63  }
0x8b: {  	v3 =	vperm.xlane v3, v2;
	s17 =	simm.s32 $0x2A80  }
0x8c: {  	[tilespmem:s17], [sflag:$0x1] =	stream.indirect_vreg.gather [hbm4b:s9+s3], $0x80, v4, vm0, $0xb8;
	[tilespmem:$0x10280] =	vst v63  }
0x8d: {  	v3 =	vadd.s32 v1, v3;
	s17 =	simm.s32 $0x3280  }
0x8e: {  	[tilespmem:s17], [sflag:$0x1] =	stream.indirect_vreg.gather [hbm4b:s10+s3], $0x80, v4, vm0, $0xb8;
	[tilespmem:$0x10280] =	vst v63  }
0x8f: {  	s17 =	simm.s32 $0x3A80  }
0x90: {  	[tilespmem:s17], [sflag:$0x1] =	stream.indirect_vreg.gather [hbm4b:s11+s3], $0x80, v4, vm0, $0xb8;
	[tilespmem:$0x10280] =	vst v63  }
0x91: {  	s17 =	simm.s32 $0x4280  }
0x92: {  	[tilespmem:s17], [sflag:$0x1] =	stream.indirect_vreg.gather [hbm4b:s1+s3], $0x80, v3, vm0, $0xb8;
	[tilespmem:$0x10280] =	vst v63  }
0x93: {  	s17 =	simm.s32 $0x4A80  }
0x94: {  	[tilespmem:s17], [sflag:$0x1] =	stream.indirect_vreg.gather [hbm4b:s5+s3], $0x80, v3, vm0, $0xb8;
	[tilespmem:$0x10280] =	vst v63  }
0x95: {  	s17 =	simm.s32 $0x5280  }
0x96: {  	[tilespmem:s17], [sflag:$0x1] =	stream.indirect_vreg.gather [hbm4b:s6+s3], $0x80, v3, vm0, $0xb8;
	[tilespmem:$0x10280] =	vst v63  }
0x97: {  	s17 =	simm.s32 $0x5A80  }
0x98: {  	[tilespmem:s17], [sflag:$0x1] =	stream.indirect_vreg.gather [hbm4b:s7+s3], $0x80, v3, vm0, $0xb8;
	[tilespmem:$0x10280] =	vst v63  }
0x99: {  	s17 =	simm.s32 $0x6280  }
0x9a: {  	[tilespmem:s17], [sflag:$0x1] =	stream.indirect_vreg.gather [hbm4b:s8+s3], $0x80, v3, vm0, $0xb8;
	[tilespmem:$0x10280] =	vst v63  }
0x9b: {  	s17 =	simm.s32 $0x6A80  }
0x9c: {  	[tilespmem:s17], [sflag:$0x1] =	stream.indirect_vreg.gather [hbm4b:s9+s3], $0x80, v3, vm0, $0xb8;
	[tilespmem:$0x10280] =	vst v63  }
0x9d: {  	s17 =	simm.s32 $0x7280  }
0x9e: {  	[tilespmem:s17], [sflag:$0x1] =	stream.indirect_vreg.gather [hbm4b:s10+s3], $0x80, v3, vm0, $0xb8;
	[tilespmem:$0x10280] =	vst v63  }
0x9f: {  	s17 =	simm.s32 $0x7A80  }
0xa0: {  	[tilespmem:s17], [sflag:$0x1] =	stream.indirect_vreg.gather [hbm4b:s11+s3], $0x80, v3, vm0, $0xb8;
	[tilespmem:$0x10280] =	vst v63  }
0xa1: {  	_ =	swait.ge [sflag:s4], $0x8000  }
0xa2: {  	[sflag:s4] =	ssyncset.done $0x0  }
0xa3: {  	[sflag:s4] =	ssyncadd.s32 $0xFFFF8000  }
0xa4: {  	v3 =	vld [tilespmem:s12+$0x0];
	_ =	sdelay $0x4  }
0xa5: {  	v63 =	vshll.u32 v3, $0x4  }
0xa6: {  	v3 =	vand.u32 $0x7, v3;
	v4 =	vand.u32 $0xFFFFFF80, v63  }
0xa7: {  	v3 =	vor.u32 v3, v4  }
0xa8: {  	v4 =	vperm.xlane v3, v0;
	_ =	sdelay $0x1  }
0xa9: {  	v4 =	vadd.s32 v1, v4;
	_ =	sdelay $0x4  }
0xaa: {  	[tilespmem:s0], [sflag:$0x2] =	stream.indirect_vreg.gather [hbm4b:s1+s3], $0x80, v4, vm0, $0xb8;
	[tilespmem:$0x10280] =	vst v63  }
0xab: {  	s17 =	simm.s32 $0x8A80  }
0xac: {  	[tilespmem:s17], [sflag:$0x2] =	stream.indirect_vreg.gather [hbm4b:s5+s3], $0x80, v4, vm0, $0xb8;
	[tilespmem:$0x10280] =	vst v63  }
0xad: {  	s17 =	simm.s32 $0x9280  }
0xae: {  	[tilespmem:s17], [sflag:$0x2] =	stream.indirect_vreg.gather [hbm4b:s6+s3], $0x80, v4, vm0, $0xb8;
	[tilespmem:$0x10280] =	vst v63  }
0xaf: {  	s17 =	simm.s32 $0x9A80  }
0xb0: {  	[tilespmem:s17], [sflag:$0x2] =	stream.indirect_vreg.gather [hbm4b:s7+s3], $0x80, v4, vm0, $0xb8;
	[tilespmem:$0x10280] =	vst v63  }
0xb1: {  	s17 =	simm.s32 $0xA280  }
0xb2: {  	[tilespmem:s17], [sflag:$0x2] =	stream.indirect_vreg.gather [hbm4b:s8+s3], $0x80, v4, vm0, $0xb8;
	[tilespmem:$0x10280] =	vst v63  }
0xb3: {  	v3 =	vperm.xlane v3, v2  }
0xb4: {  	[tilespmem:s18], [sflag:$0x2] =	stream.indirect_vreg.gather [hbm4b:s9+s3], $0x80, v4, vm0, $0xb8;
	[tilespmem:$0x10280] =	vst v63  }
0xb5: {  	v3 =	vadd.s32 v1, v3  }
0xb6: {  	[tilespmem:s19], [sflag:$0x2] =	stream.indirect_vreg.gather [hbm4b:s10+s3], $0x80, v4, vm0, $0xb8;
	[tilespmem:$0x10280] =	vst v63  }
0xb7: {  	_ = 	snop  }
0xb8: {  	[tilespmem:s20], [sflag:$0x2] =	stream.indirect_vreg.gather [hbm4b:s11+s3], $0x80, v4, vm0, $0xb8;
	[tilespmem:$0x10280] =	vst v63  }
0xb9: {  	_ = 	snop  }
0xba: {  	[tilespmem:s21], [sflag:$0x2] =	stream.indirect_vreg.gather [hbm4b:s1+s3], $0x80, v3, vm0, $0xb8;
	[tilespmem:$0x10280] =	vst v63  }
0xbb: {  	_ = 	snop  }
0xbc: {  	[tilespmem:s22], [sflag:$0x2] =	stream.indirect_vreg.gather [hbm4b:s5+s3], $0x80, v3, vm0, $0xb8;
	[tilespmem:$0x10280] =	vst v63  }
0xbd: {  	_ = 	snop  }
0xbe: {  	[tilespmem:s23], [sflag:$0x2] =	stream.indirect_vreg.gather [hbm4b:s6+s3], $0x80, v3, vm0, $0xb8;
	[tilespmem:$0x10280] =	vst v63  }
0xbf: {  	_ = 	snop  }
0xc0: {  	[tilespmem:s24], [sflag:$0x2] =	stream.indirect_vreg.gather [hbm4b:s7+s3], $0x80, v3, vm0, $0xb8;
	[tilespmem:$0x10280] =	vst v63  }
0xc1: {  	_ = 	snop  }
0xc2: {  	[tilespmem:s25], [sflag:$0x2] =	stream.indirect_vreg.gather [hbm4b:s8+s3], $0x80, v3, vm0, $0xb8;
	[tilespmem:$0x10280] =	vst v63  }
0xc3: {  	_ = 	snop  }
0xc4: {  	[tilespmem:s26], [sflag:$0x2] =	stream.indirect_vreg.gather [hbm4b:s9+s3], $0x80, v3, vm0, $0xb8;
	[tilespmem:$0x10280] =	vst v63  }
.Ltmp3:
0xc5: {  	_ = 	snop;
	(pc) =	sbr.rel .LBB2_2-.Ltmp3, $4  }
0xc6: {  	_ = 	snop  }
0xc7: {  	[tilespmem:s28], [sflag:$0x2] =	stream.indirect_vreg.gather [hbm4b:s10+s3], $0x80, v3, vm0, $0xb8;
	[tilespmem:$0x10280] =	vst v63  }
0xc8: {  	s15 =	sadd.s32 $0x2000, s15;
	s12 =	sadd.s32 $0x20, s12  }
0xc9: {  	[tilespmem:s29], [sflag:$0x2] =	stream.indirect_vreg.gather [hbm4b:s11+s3], $0x80, v3, vm0, $0xb8;
	[tilespmem:$0x10280] =	vst v63  }
.LBB2_5:
0xca: {  	_ =	sfence.sel $0x180000  }
0xcb: {  	[bflag:$0x0] =	sbarrier.arrive $0xFFFF  }
0xcc: {  	_ =	strace $0x90000047  }
0xcd: {  	s0 =	stileid.u32;
	[bflag:$0x2] =	sbarrier.arrive $0xFFFF  }
0xce: {  	p0 =	sne.s32 s0, $0x0;
	s0 =	rddreg [dreg:$0x3]  }
0xcf: {  	s0 =	sadd.s32 @!p0 $0x100000, s0  }
0xd0: {  	[sflag:s0] =	ssyncadd.tile.s32 @!p0 $0x1;
	_ =	shalt  }
.Lfunc_end2:
_tile_overlayer_lowered:
.L_overlay_start_2:
0xd1: {  	(tag) =	ssettag $0x2  }
0xd2: {  	s0 =	rddreg [dreg:$0x0];
	s2 =	stileid.u32  }
0xd3: {  	s1 =	rddreg [dreg:$0x1];
	p0 =	sne.s32 s2, $0x0  }
0xd4: {  	s3 =	rddreg [dreg:$0x2];
	[bflag:$0x3] =	sbarrier.arrive $0xFFFF;
	s2 =	simm.s32 @!p0 $0x1C05  }
0xd5: {  	[timem:s3], [sflag:s2] =	dma.local @!p0 [hbm:s0], s1  }
0xd6: {  	s0 =	simm.s32 @!p0 $0x5  }
0xd7: {  	_ =	swait.ge @!p0 [sflag:s0], s1  }
0xd8: {  	s1 =	ssub.s32 @!p0 $0x0, s1;
	[sflag:s0] =	ssyncset.done @!p0 $0x0  }
0xd9: {  	[sflag:s0] =	ssyncadd.s32 @!p0 s1  }
0xda: {  	[bflag:$0x3] =	sbarrier.arrive $0xFFFF  }
0xdb: {  	_ =	shalt  }

</sc_bundles>
